<compile_context>
chip_gen: v7x
topology: tpu7x:2x2x1
jax: 0.10.2.dev20260603
libtpu: 0.0.44.dev20260713+nightly
codegen_flags: <defaults>
</compile_context>

<pallas_src>
import functools

import jax
import jax.numpy as jnp
from jax import lax
from jax.experimental import pallas as pl
from jax.experimental.pallas import tpu as pltpu
from jax.experimental.pallas import tpu_sc as plsc

N = 100000
D_FEAT = 128
EMB = 128
NF_EMB = 64
B = 16384
OUT_D = EMB + NF_EMB

NUM_CORES = 2
NUM_SUBCORES = 16
NUM_WORKERS = NUM_CORES * NUM_SUBCORES
B_PER_W = B // NUM_WORKERS

BN = 8192


def _sc_gather2(emb_weight, node_feats, batch):
    mesh = plsc.VectorSubcoreMesh(core_axis_name="c", subcore_axis_name="s")

    @functools.partial(
        pl.kernel,
        mesh=mesh,
        out_type=(
            jax.ShapeDtypeStruct((B, EMB), jnp.float32),
            jax.ShapeDtypeStruct((B, D_FEAT), jnp.float32),
        ),
        scratch_types=[
            pltpu.VMEM((B_PER_W,), jnp.int32),
            pltpu.VMEM((B_PER_W, EMB), jnp.float32),
            pltpu.SemaphoreType.DMA,
        ],
    )
    def k(emb_hbm, nf_hbm, idx_hbm, emb_out, nf_out, idx_v, rows_v, sem):
        wid = lax.axis_index("s") * NUM_CORES + lax.axis_index("c")
        base = wid * B_PER_W
        pltpu.sync_copy(idx_hbm.at[pl.ds(base, B_PER_W)], idx_v)
        pltpu.async_copy(emb_hbm.at[idx_v], rows_v, sem).wait()
        pltpu.sync_copy(rows_v, emb_out.at[pl.ds(base, B_PER_W)])
        pltpu.async_copy(nf_hbm.at[idx_v], rows_v, sem).wait()
        pltpu.sync_copy(rows_v, nf_out.at[pl.ds(base, B_PER_W)])

    return k(emb_weight, node_feats, batch)


def _tc_fuse_kernel(emb_ref, nf_ref, w_ref, b_ref, out_ref):
    zT = jax.lax.dot_general(
        w_ref[...], nf_ref[...],
        dimension_numbers=(((0,), (1,)), ((), ())),
        preferred_element_type=jnp.float32,
    )
    out_ref[:EMB, :] = emb_ref[...].T
    out_ref[EMB:, :] = zT + b_ref[...]


def _tc_fuse(emb_rows, nf_rows, lin_W, lin_b):
    return pl.pallas_call(
        _tc_fuse_kernel,
        grid=(B // BN,),
        in_specs=[
            pl.BlockSpec((BN, EMB), lambda i: (i, 0)),
            pl.BlockSpec((BN, D_FEAT), lambda i: (i, 0)),
            pl.BlockSpec((D_FEAT, NF_EMB), lambda i: (0, 0)),
            pl.BlockSpec((NF_EMB, 1), lambda i: (0, 0)),
        ],
        out_specs=pl.BlockSpec((OUT_D, BN), lambda i: (0, i)),
        out_shape=jax.ShapeDtypeStruct((OUT_D, B), jnp.float32),
    )(emb_rows, nf_rows, lin_W, lin_b)


def kernel(node_feats, emb_weight, lin_W, lin_b, batch):
    emb_rows, nf_rows = _sc_gather2(emb_weight, node_feats, batch)
    return _tc_fuse(emb_rows, nf_rows, lin_W, lin_b.reshape(NF_EMB, 1)).T

# --- scband reference (transcript-rebuilt; emitter-appended) ---
"""Pipeline reference for scband-node2-vec-15582141350158 (READ-ONLY COPY).

The authoritative reference and input builder live on the scoring server;
editing this copy changes nothing except your own understanding.
"""

import jax, jax.numpy as jnp
import numpy as np

N = 100000        # num nodes
D_FEAT = 128      # num_node_feats
EMB = 128         # embedding_dim
NF_EMB = 64       # node_feat_embed_dim
B = 16384         # lookup batch size

def setup_inputs(seed: int = 0) -> dict:
    key = jax.random.key(seed)
    k1, k2, k3, k4 = jax.random.split(key, 4)
    return {
        "node_feats": jax.random.normal(k1, (N, D_FEAT), dtype=jnp.float32),
        "emb_weight": jax.random.normal(k2, (N, EMB), dtype=jnp.float32),
        "lin_W": jax.random.normal(k3, (D_FEAT, NF_EMB), dtype=jnp.float32) * (1.0 / np.sqrt(D_FEAT)),
        "lin_b": jnp.zeros((NF_EMB,), dtype=jnp.float32),
        "batch": jax.random.randint(k4, (B,), 0, N, dtype=jnp.int32),
    }

def reference(node_feats, emb_weight, lin_W, lin_b, batch):
    # forward(): emb = embedding.weight; z = lin_node(node_feats);
    # master_emb = cat([emb, z], dim=1); return master_emb[batch]
    z = jnp.dot(node_feats, lin_W) + lin_b
    master_emb = jnp.concatenate([emb_weight, z], axis=1)
    return jnp.take(master_emb, batch, axis=0)

if __name__ == "__main__":
    import jax
    _d = setup_inputs()
    print(jax.jit(kernel)(*tuple(_d.values())))

</pallas_src>

<mosaic_0001>
#map = affine_map<(d0, d1) -> (0, 0)>
#map1 = affine_map<(d0, d1) -> (0)>
module attributes {stable_mosaic.version = 14 : i64} {
  func.func @k(%arg0: i32, %arg1: i32, %arg2: memref<100000x128xf32, #tpu.memory_space<hbm>>, %arg3: memref<100000x128xf32, #tpu.memory_space<hbm>>, %arg4: memref<16384xi32, #tpu.memory_space<hbm>>, %arg5: memref<16384x128xf32, #tpu.memory_space<hbm>>, %arg6: memref<16384x128xf32, #tpu.memory_space<hbm>>, %arg7: memref<512xi32, #tpu.memory_space<vmem>>, %arg8: memref<512x128xf32, #tpu.memory_space<vmem>>, %arg9: memref<!tpu.dma_semaphore, #tpu.memory_space<semaphore_mem>>) attributes {dimension_semantics = [#tpu.dimension_semantics<core_parallel>, #tpu.dimension_semantics<subcore_parallel>], iteration_bounds = array<i64: 2, 16>, scalar_prefetch = 0 : i64, scratch_operands = 3 : i64, tpu.core_type = #tpu.core_type<sc_vector_subcore>, window_params = [{transform_indices = #map}, {transform_indices = #map}, {transform_indices = #map1}, {transform_indices = #map}, {transform_indices = #map}]} {
    %mul3A = arith.constant 2 : i32
    %mul3A_0 = arith.muli %arg1, %mul3A : i32
    %add3A = arith.addi %mul3A_0, %arg0 : i32
    %mul3A_1 = arith.constant 512 : i32
    %mul3A_2 = arith.muli %add3A, %mul3A_1 : i32
    "tpu.region"() ({
      %run_scoped3A = tpu.sem_alloc : memref<!tpu.dma_semaphore, #tpu.memory_space<semaphore_mem>>
      %dma_start3A_13 = tpu.memref_slice %arg4[%mul3A_2] : memref<16384xi32, #tpu.memory_space<hbm>> -> memref<512xi32, #tpu.memory_space<hbm>>
      %dma_start3A_14 = tpu.memref_slice %arg4[%mul3A_2] : memref<16384xi32, #tpu.memory_space<hbm>> -> memref<512xi32, #tpu.memory_space<hbm>>
      tpu.enqueue_dma source(%dma_start3A_14 : memref<512xi32, #tpu.memory_space<hbm>>) target(%arg7 : memref<512xi32, #tpu.memory_space<vmem>>) target_semaphore(%run_scoped3A : memref<!tpu.dma_semaphore, #tpu.memory_space<semaphore_mem>>)
      %dma_wait3A_15 = tpu.memref_slice %arg4[%mul3A_2] : memref<16384xi32, #tpu.memory_space<hbm>> -> memref<512xi32, #tpu.memory_space<hbm>>
      %dma_wait3A_16 = tpu.memref_slice %arg4[%mul3A_2] : memref<16384xi32, #tpu.memory_space<hbm>> -> memref<512xi32, #tpu.memory_space<hbm>>
      tpu.wait_dma2 semaphore(%run_scoped3A : memref<!tpu.dma_semaphore, #tpu.memory_space<semaphore_mem>>) src(%dma_wait3A_16 : memref<512xi32, #tpu.memory_space<hbm>>) dst(%arg7 : memref<512xi32, #tpu.memory_space<vmem>>)
      tpu.yield
    }) : () -> ()
    %dma_start3A = arith.constant 0 : i32
    %dma_start3A_3 = arith.constant 0 : i32
    %dma_start3A_4 = tpu.memref_slice %arg2[%dma_start3A, %dma_start3A_3] : memref<100000x128xf32, #tpu.memory_space<hbm>> -> memref<100000x128xf32, #tpu.memory_space<hbm>>
    tpu.enqueue_indirect_dma source(%dma_start3A_4 : memref<100000x128xf32, #tpu.memory_space<hbm>>) target(%arg8 : memref<512x128xf32, #tpu.memory_space<vmem>>) offsets(%arg7 : memref<512xi32, #tpu.memory_space<vmem>>) semaphore(%arg9 : memref<!tpu.dma_semaphore, #tpu.memory_space<semaphore_mem>>)
    %dma_wait3A = arith.constant 0 : i32
    %dma_wait3A_5 = arith.constant 0 : i32
    %dma_wait3A_6 = tpu.memref_slice %arg2[%dma_wait3A, %dma_wait3A_5] : memref<100000x128xf32, #tpu.memory_space<hbm>> -> memref<100000x128xf32, #tpu.memory_space<hbm>>
    tpu.wait_indirect_dma semaphore(%arg9 : memref<!tpu.dma_semaphore, #tpu.memory_space<semaphore_mem>>) src(%dma_wait3A_6 : memref<100000x128xf32, #tpu.memory_space<hbm>>) dst(%arg8 : memref<512x128xf32, #tpu.memory_space<vmem>>)
    "tpu.region"() ({
      %run_scoped3A = tpu.sem_alloc : memref<!tpu.dma_semaphore, #tpu.memory_space<semaphore_mem>>
      %dma_start3A_13 = arith.constant 0 : i32
      %dma_start3A_14 = tpu.memref_slice %arg5[%mul3A_2, %dma_start3A_13] : memref<16384x128xf32, #tpu.memory_space<hbm>> -> memref<512x128xf32, #tpu.memory_space<hbm>>
      %dma_start3A_15 = arith.constant 0 : i32
      %dma_start3A_16 = tpu.memref_slice %arg5[%mul3A_2, %dma_start3A_15] : memref<16384x128xf32, #tpu.memory_space<hbm>> -> memref<512x128xf32, #tpu.memory_space<hbm>>
      tpu.enqueue_dma source(%arg8 : memref<512x128xf32, #tpu.memory_space<vmem>>) target(%dma_start3A_16 : memref<512x128xf32, #tpu.memory_space<hbm>>) target_semaphore(%run_scoped3A : memref<!tpu.dma_semaphore, #tpu.memory_space<semaphore_mem>>)
      %dma_wait3A_17 = arith.constant 0 : i32
      %dma_wait3A_18 = tpu.memref_slice %arg5[%mul3A_2, %dma_wait3A_17] : memref<16384x128xf32, #tpu.memory_space<hbm>> -> memref<512x128xf32, #tpu.memory_space<hbm>>
      %dma_wait3A_19 = arith.constant 0 : i32
      %dma_wait3A_20 = tpu.memref_slice %arg5[%mul3A_2, %dma_wait3A_19] : memref<16384x128xf32, #tpu.memory_space<hbm>> -> memref<512x128xf32, #tpu.memory_space<hbm>>
      tpu.wait_dma2 semaphore(%run_scoped3A : memref<!tpu.dma_semaphore, #tpu.memory_space<semaphore_mem>>) src(%arg8 : memref<512x128xf32, #tpu.memory_space<vmem>>) dst(%dma_wait3A_20 : memref<512x128xf32, #tpu.memory_space<hbm>>)
      tpu.yield
    }) : () -> ()
    %dma_start3A_7 = arith.constant 0 : i32
    %dma_start3A_8 = arith.constant 0 : i32
    %dma_start3A_9 = tpu.memref_slice %arg3[%dma_start3A_7, %dma_start3A_8] : memref<100000x128xf32, #tpu.memory_space<hbm>> -> memref<100000x128xf32, #tpu.memory_space<hbm>>
    tpu.enqueue_indirect_dma source(%dma_start3A_9 : memref<100000x128xf32, #tpu.memory_space<hbm>>) target(%arg8 : memref<512x128xf32, #tpu.memory_space<vmem>>) offsets(%arg7 : memref<512xi32, #tpu.memory_space<vmem>>) semaphore(%arg9 : memref<!tpu.dma_semaphore, #tpu.memory_space<semaphore_mem>>)
    %dma_wait3A_10 = arith.constant 0 : i32
    %dma_wait3A_11 = arith.constant 0 : i32
    %dma_wait3A_12 = tpu.memref_slice %arg3[%dma_wait3A_10, %dma_wait3A_11] : memref<100000x128xf32, #tpu.memory_space<hbm>> -> memref<100000x128xf32, #tpu.memory_space<hbm>>
    tpu.wait_indirect_dma semaphore(%arg9 : memref<!tpu.dma_semaphore, #tpu.memory_space<semaphore_mem>>) src(%dma_wait3A_12 : memref<100000x128xf32, #tpu.memory_space<hbm>>) dst(%arg8 : memref<512x128xf32, #tpu.memory_space<vmem>>)
    "tpu.region"() ({
      %run_scoped3A = tpu.sem_alloc : memref<!tpu.dma_semaphore, #tpu.memory_space<semaphore_mem>>
      %dma_start3A_13 = arith.constant 0 : i32
      %dma_start3A_14 = tpu.memref_slice %arg6[%mul3A_2, %dma_start3A_13] : memref<16384x128xf32, #tpu.memory_space<hbm>> -> memref<512x128xf32, #tpu.memory_space<hbm>>
      %dma_start3A_15 = arith.constant 0 : i32
      %dma_start3A_16 = tpu.memref_slice %arg6[%mul3A_2, %dma_start3A_15] : memref<16384x128xf32, #tpu.memory_space<hbm>> -> memref<512x128xf32, #tpu.memory_space<hbm>>
      tpu.enqueue_dma source(%arg8 : memref<512x128xf32, #tpu.memory_space<vmem>>) target(%dma_start3A_16 : memref<512x128xf32, #tpu.memory_space<hbm>>) target_semaphore(%run_scoped3A : memref<!tpu.dma_semaphore, #tpu.memory_space<semaphore_mem>>)
      %dma_wait3A_17 = arith.constant 0 : i32
      %dma_wait3A_18 = tpu.memref_slice %arg6[%mul3A_2, %dma_wait3A_17] : memref<16384x128xf32, #tpu.memory_space<hbm>> -> memref<512x128xf32, #tpu.memory_space<hbm>>
      %dma_wait3A_19 = arith.constant 0 : i32
      %dma_wait3A_20 = tpu.memref_slice %arg6[%mul3A_2, %dma_wait3A_19] : memref<16384x128xf32, #tpu.memory_space<hbm>> -> memref<512x128xf32, #tpu.memory_space<hbm>>
      tpu.wait_dma2 semaphore(%run_scoped3A : memref<!tpu.dma_semaphore, #tpu.memory_space<semaphore_mem>>) src(%arg8 : memref<512x128xf32, #tpu.memory_space<vmem>>) dst(%dma_wait3A_20 : memref<512x128xf32, #tpu.memory_space<hbm>>)
      tpu.yield
    }) : () -> ()
    return
  }
}

module attributes {stable_mosaic.version = 14 : i64} {
  func.func @_tc_fuse_kernel(%arg0: i32, %arg1: memref<8192x128xf32, #tpu.memory_space<vmem>>, %arg2: memref<8192x128xf32, #tpu.memory_space<vmem>>, %arg3: memref<128x64xf32, #tpu.memory_space<vmem>>, %arg4: memref<64x1xf32, #tpu.memory_space<vmem>>, %arg5: memref<192x8192xf32, #tpu.memory_space<vmem>>) attributes {dimension_semantics = [#tpu.dimension_semantics<arbitrary>], iteration_bounds = array<i64: 2>, scalar_prefetch = 0 : i64, scratch_operands = 0 : i64, tpu.core_type = #tpu.core_type<tc>, window_params = [{transform_indices = @transform_0, window_bounds = array<i64: 8192, 128>}, {transform_indices = @transform_1, window_bounds = array<i64: 8192, 128>}, {pipeline_mode = #tpu.pipeline_mode<synchronous>, transform_indices = @transform_2, window_bounds = array<i64: 128, 64>}, {pipeline_mode = #tpu.pipeline_mode<synchronous>, transform_indices = @transform_3, window_bounds = array<i64: 64, 1>}, {transform_indices = @transform_4, window_bounds = array<i64: 192, 8192>}]} {
    %get3A = arith.constant 0 : index
    %get3A_0 = arith.constant 0 : index
    %get3A_1 = vector.load %arg3[%get3A, %get3A_0] : memref<128x64xf32, #tpu.memory_space<vmem>>, vector<128x64xf32>
    %get3A_2 = arith.constant 0 : index
    %get3A_3 = arith.constant 0 : index
    %get3A_4 = vector.load %arg2[%get3A_2, %get3A_3] : memref<8192x128xf32, #tpu.memory_space<vmem>>, vector<8192x128xf32>
    %dot_general3A = arith.constant dense<0.000000e+00> : vector<64x8192xf32>
    %dot_general3A_5 = tpu.matmul %get3A_1, %get3A_4, %dot_general3A {dimension_numbers = #tpu.dot_dimension_numbers<[0], [1], [1], [0], [0, 1, 1, 0], [], []>, transpose_lhs_hint = false} : vector<128x64xf32>, vector<8192x128xf32>, vector<64x8192xf32> -> vector<64x8192xf32>
    %get3A_6 = arith.constant 0 : index
    %get3A_7 = arith.constant 0 : index
    %get3A_8 = vector.load %arg1[%get3A_6, %get3A_7] : memref<8192x128xf32, #tpu.memory_space<vmem>>, vector<8192x128xf32>
    %transpose3A = tpu.transpose %get3A_8, [1, 0] : vector<8192x128xf32> -> vector<128x8192xf32>
    %swap3A = arith.constant 0 : index
    %swap3A_9 = arith.constant 0 : index
    %swap3A_10 = vector.load %arg5[%swap3A, %swap3A_9] : memref<192x8192xf32, #tpu.memory_space<vmem>>, vector<128x8192xf32>
    tpu.vector_store %arg5[%swap3A, %swap3A_9], %transpose3A {strides = array<i32>} : memref<192x8192xf32, #tpu.memory_space<vmem>>, vector<128x8192xf32>,
    %get3A_11 = arith.constant 0 : index
    %get3A_12 = arith.constant 0 : index
    %get3A_13 = vector.load %arg4[%get3A_11, %get3A_12] : memref<64x1xf32, #tpu.memory_space<vmem>>, vector<64x1xf32>
    %add3A = vector.broadcast %get3A_13 : vector<64x1xf32> to vector<64x8192xf32>
    %add3A_14 = arith.addf %dot_general3A_5, %add3A : vector<64x8192xf32>
    %swap3A_15 = arith.constant 128 : index
    %swap3A_16 = arith.constant 0 : index
    %swap3A_17 = vector.load %arg5[%swap3A_15, %swap3A_16] : memref<192x8192xf32, #tpu.memory_space<vmem>>, vector<64x8192xf32>
    tpu.vector_store %arg5[%swap3A_15, %swap3A_16], %add3A_14 {strides = array<i32>} : memref<192x8192xf32, #tpu.memory_space<vmem>>, vector<64x8192xf32>,
    return
  }
  func.func @transform_0(%arg0: i32) -> (i32, i32) {
    %c0_i32 = arith.constant 0 : i32
    %c0_i32_0 = arith.constant 0 : i32
    return %arg0, %c0_i32 : i32, i32
  }
  func.func @transform_1(%arg0: i32) -> (i32, i32) {
    %c0_i32 = arith.constant 0 : i32
    %c0_i32_0 = arith.constant 0 : i32
    return %arg0, %c0_i32 : i32, i32
  }
  func.func @transform_2(%arg0: i32) -> (i32, i32) {
    %c0_i32 = arith.constant 0 : i32
    %c0_i32_0 = arith.constant 0 : i32
    %c0_i32_1 = arith.constant 0 : i32
    return %c0_i32, %c0_i32_0 : i32, i32
  }
  func.func @transform_3(%arg0: i32) -> (i32, i32) {
    %c0_i32 = arith.constant 0 : i32
    %c0_i32_0 = arith.constant 0 : i32
    %c0_i32_1 = arith.constant 0 : i32
    return %c0_i32, %c0_i32_0 : i32, i32
  }
  func.func @transform_4(%arg0: i32) -> (i32, i32) {
    %c0_i32 = arith.constant 0 : i32
    %c0_i32_0 = arith.constant 0 : i32
    return %c0_i32, %arg0 : i32, i32
  }
}

</mosaic_0001>

<sc_bundles>
// kernel: kernel.4.cloned.1.call-start
scs
__scs_entry_jumppad:
0x0: {  	(pc) =	sbr.rel $0x88, $3  }
0x1: {  	(tag) =	ssettag $0x0;
	lr =	simm.s32 $0x1  }
0x2: {  	[smem:$0x3F9C] =	sst lr;
	_ =	strace $0xD0000000  }
0x3: {  	_ = 	snop  }
0x4: {  	_ = 	snop  }
0x5: {  	_ = 	snop  }
0x6: {  	_ = 	snop  }
0x7: {  	_ = 	snop  }
__scs_overlays_trampoline_lowered:
0x8: {  	[smem:$0x3FAB] =	sst s0  }
0x9: {  	[smem:$0x3FAC] =	sst s1  }
0xa: {  	[smem:$0x3FAD] =	sst s2  }
0xb: {  	[smem:$0x3FAE] =	sst s3  }
0xc: {  	[smem:$0x3FAF] =	sst s4  }
0xd: {  	[smem:$0x3FB0] =	sst s5  }
0xe: {  	[smem:$0x3FB1] =	sst s6  }
0xf: {  	[smem:$0x3FB2] =	sst s7  }
0x10: {  	[smem:$0x3FB3] =	sst s8  }
0x11: {  	[smem:$0x3FB4] =	sst s9;
	s0 =	simm.s32 @!p0 $0x0  }
0x12: {  	s1 =	sld [smem:$0x3F9A];
	s0 =	simm.s32 @p0 $0x1  }
0x13: {  	[smem:$0x3FB5] =	sst s0;
	s0 =	simm.s32 @!p1 $0x0  }
0x14: {  	s2 =	sld [smem:$0x3F99];
	s0 =	simm.s32 @p1 $0x1  }
0x15: {  	[smem:$0x3FB6] =	sst s0;
	s0 =	simm.s32 @!p2 $0x0  }
0x16: {  	s3 =	sld [smem:$0x3FDB];
	s0 =	simm.s32 @p2 $0x1  }
0x17: {  	s4 =	simm.s32 $0x1BF5;
	[smem:$0x3FB8] =	sst s0  }
0x18: {  	s0 =	sld [smem:$0x3F9B];
	_ =	swait.ge [sflag:s4], $0x0  }
0x19: {  	s7 =	sld [smem:$0x3F9C]  }
0x1a: {  	s8 =	sadd.s32 $0xFFFFE003, lr  }
0x1b: {  	s9 =	sadd.s32 $0xFFFFFEF7, lr;
	s5 =	simm.s32 $0xFFFFFFFF;
	p2 =	slt.u32 s8, $0xFFFFF086  }
0x1c: {  	p1 =	slt.u32 s9, $0xF7A;
	s5 =	simm.s32 @!p2 $0x0  }
0x1d: {  	s5 =	simm.s32 @p1 $0x1;
	p0 =	seq.s32 s7, s2  }
0x1e: {  	s7 =	smul.u32 @!p0 $0xF7A, s2;
	p2 =	seq.s32 @!p0 s5, $0x0  }
0x1f: {  	s9 =	smul.u32 $0xF7A, s1;
	s8 =	simm.s32 @!p0 $0x1BF5;
	p2 =	por !p2, p0  }
0x20: {  	[sflag:s8] =	ssyncset.s32 @!p0 $0xFFFFF086;
	s6 =	sadd.s32 @!p0 s3, s7;
	s7 =	simm.s32 @!p0 $0x108  }
0x21: {  	s3 =	sadd.s32 s3, s9;
	s6 =	sadd.s32 @!p0 $0x88, s6;
	s7 =	simm.s32 @p2 $0x1082  }
0x22: {  	[simem:s7], [sflag:s8] =	dma.local @!p0 [hbm:s6], $0xF7A  }
0x23: {  	s9 =	sor.u32 $0xD0000000, s2;
	s6 =	simm.s32 $0x108;
	_ =	swait.ge @!p0 [sflag:s8], $0x0  }
0x24: {  	s3 =	sadd.s32 $0x88, s3;
	s6 =	simm.s32 @!p1 $0x1082;
	[sflag:s4] =	ssyncset.s32 $0xFFFFF086  }
0x25: {  	[simem:s6], [sflag:s4] =	dma.local [hbm:s3], $0xF7A  }
0x26: {  	[smem:$0x3F9C] =	sst s1;
	(tag) =	ssettag s2;
	_ =	strace s9  }
0x27: {  	s1 =	sld [smem:$0x3FAC]  }
0x28: {  	s2 =	sld [smem:$0x3FAD]  }
0x29: {  	s4 =	sld [smem:$0x3FAF]  }
0x2a: {  	p0 =	seq.s32 s5, $0x0;
	s5 =	sld [smem:$0x3FB0]  }
0x2b: {  	s6 =	sld [smem:$0x3FB1]  }
0x2c: {  	s7 =	sld [smem:$0x3FB2]  }
0x2d: {  	s3 =	simm.s32 $0x108;
	s8 =	sld [smem:$0x3FB3]  }
0x2e: {  	s3 =	simm.s32 @!p0 $0x1082;
	s9 =	sld [smem:$0x3FB4]  }
0x2f: {  	lr =	sadd.s32 s0, s3;
	s0 =	sld [smem:$0x3FAB]  }
0x30: {  	s3 =	sld [smem:$0x3FAE]  }
0x31: {  	[smem:$0x3FB7] =	sst s10  }
0x32: {  	s10 =	sld [smem:$0x3FB5];
	_ =	sdelay $0x3  }
0x33: {  	p0 =	seq.s32 s10, $0x1;
	s10 =	sld [smem:$0x3FB7];
	_ =	sdelay $0x3  }
0x34: {  	[smem:$0x3FB7] =	sst s10  }
0x35: {  	s10 =	sld [smem:$0x3FB6];
	_ =	sdelay $0x3  }
0x36: {  	p1 =	seq.s32 s10, $0x1;
	s10 =	sld [smem:$0x3FB7];
	_ =	sdelay $0x3  }
0x37: {  	[smem:$0x3FB7] =	sst s10  }
0x38: {  	s10 =	sld [smem:$0x3FB8]  }
0x39: {  	_ = 	snop;
	(pc) =	sbr.ind lr, $3  }
0x3a: {  	_ = 	snop  }
0x3b: {  	_ = 	snop  }
0x3c: {  	p2 =	seq.s32 s10, $0x1;
	s10 =	sld [smem:$0x3FB7]  }
0x3d: {  	_ =	shalt  }
0x3e: {  	_ =	shalt  }
0x3f: {  	_ =	shalt  }
0x40: {  	_ =	shalt  }
0x41: {  	_ =	shalt  }
0x42: {  	_ =	shalt  }
0x43: {  	_ =	shalt  }
0x44: {  	_ =	shalt  }
0x45: {  	_ =	shalt  }
0x46: {  	_ =	shalt  }
0x47: {  	_ =	shalt  }
0x48: {  	_ =	shalt  }
0x49: {  	_ =	shalt  }
0x4a: {  	_ =	shalt  }
0x4b: {  	_ =	shalt  }
0x4c: {  	_ =	shalt  }
0x4d: {  	_ =	shalt  }
0x4e: {  	_ =	shalt  }
0x4f: {  	_ =	shalt  }
0x50: {  	_ =	shalt  }
0x51: {  	_ =	shalt  }
0x52: {  	_ =	shalt  }
0x53: {  	_ =	shalt  }
0x54: {  	_ =	shalt  }
0x55: {  	_ =	shalt  }
0x56: {  	_ =	shalt  }
0x57: {  	_ =	shalt  }
0x58: {  	_ =	shalt  }
0x59: {  	_ =	shalt  }
0x5a: {  	_ =	shalt  }
0x5b: {  	_ =	shalt  }
0x5c: {  	_ =	shalt  }
0x5d: {  	_ =	shalt  }
0x5e: {  	_ =	shalt  }
0x5f: {  	_ =	shalt  }
0x60: {  	_ =	shalt  }
0x61: {  	_ =	shalt  }
0x62: {  	_ =	shalt  }
0x63: {  	_ =	shalt  }
0x64: {  	_ =	shalt  }
0x65: {  	_ =	shalt  }
0x66: {  	_ =	shalt  }
0x67: {  	_ =	shalt  }
0x68: {  	_ =	shalt  }
0x69: {  	_ =	shalt  }
0x6a: {  	_ =	shalt  }
0x6b: {  	_ =	shalt  }
0x6c: {  	_ =	shalt  }
0x6d: {  	_ =	shalt  }
0x6e: {  	_ =	shalt  }
0x6f: {  	_ =	shalt  }
0x70: {  	_ =	shalt  }
0x71: {  	_ =	shalt  }
0x72: {  	_ =	shalt  }
0x73: {  	_ =	shalt  }
0x74: {  	_ =	shalt  }
0x75: {  	_ =	shalt  }
0x76: {  	_ =	shalt  }
0x77: {  	_ =	shalt  }
0x78: {  	_ =	shalt  }
0x79: {  	_ =	shalt  }
0x7a: {  	_ =	shalt  }
0x7b: {  	_ =	shalt  }
0x7c: {  	_ =	shalt  }
0x7d: {  	_ =	shalt  }
0x7e: {  	_ =	shalt  }
0x7f: {  	_ =	shalt  }
0x80: {  	_ =	shalt  }
0x81: {  	_ =	shalt  }
0x82: {  	_ =	shalt  }
0x83: {  	_ =	shalt  }
0x84: {  	_ =	shalt  }
0x85: {  	_ =	shalt  }
0x86: {  	_ =	shalt  }
0x87: {  	_ =	shalt  }
.Lfunc_end0:
.L_simem_size_0:
called_computation_lowered:
.L_overlay_start_0:
0x88: {  	s2 =	sld [smem:$0x3FD9]  }
0x89: {  	s3 =	sld [smem:$0x3FFE];
	_ =	sdelay $0x1  }
0x8a: {  	s1 =	srdreg.scid  }
0x8b: {  	s0 =	sand.u32 $0x1, s1  }
0x8c: {  	s17 =	sshll.u32 s0, $0xA;
	s2 =	sadd.s32 s3, s2  }
0x8d: {  	s2 =	sadd.s32 s2, s17  }
0x8e: {  	[smem:$0x3FC3] =	sst s2  }
0x8f: {  	_ = 	snop  }
0x90: {  	s2 =	sld [smem:$0x3FC9]  }
0x91: {  	s18 =	sld [smem:$0x3FC8]  }
0x92: {  	s4 =	sld [smem:$0x3FC5]  }
0x93: {  	s5 =	sld [smem:$0x3FD0];
	(tm) =	ssettm $0x1  }
0x94: {  	s6 =	sld [smem:$0x3FFB];
	_ =	sdelay $0x3  }
0x95: {  	_ =	strace s6  }
0x96: {  	s6 =	sld [smem:$0x3FFC];
	_ =	sdelay $0x3  }
0x97: {  	_ =	strace s6  }
0x98: {  	s6 =	sld [smem:$0x3FFD];
	_ =	sdelay $0x3  }
0x99: {  	_ =	strace s6  }
0x9a: {  	_ =	strace $0x8FFFFFFF  }
0x9b: {  	s19 =	sld [smem:$0x3FDB];
	_ =	sdelay $0x1  }
0x9c: {  	s7 =	simm.s32 $_scs_section_size  }
0x9d: {  	s8 =	simm.s32 $_size__tile_overlayer_lowered;
	s9 =	simm.s32 $_tile_overlayer_lowered  }
0x9e: {  	s22 =	simm.s32 $0x1BFF;
	s21 =	sshll.u32 s9, $0x1;
	s6 =	sadd.s32 s7, s19  }
0x9f: {  	s10 =	simm.s32 $0x0;
	s20 =	sshll.u32 s8, $0x1;
	s8 =	sadd.s32 s21, s6  }
0xa0: {  	[timem:s10], [sflag:s22] =	dma.local [hbm:s8], s20  }
0xa1: {  	_ =	swait.ge [sflag:s22], s20  }
0xa2: {  	s7 =	ssub.s32 $0x0, s20;
	[sflag:s22] =	ssyncset.done $0x0  }
0xa3: {  	[sflag:s22] =	ssyncadd.s32 s7;
	_ =	sdelay $0x1  }
0xa4: {  	s23 =	simm.s32 $0x1B8B  }
0xa5: {  	_ =	swait.ge [sflag:s23], $0x1  }
0xa6: {  	[sflag:s23] =	ssyncset.done $0x0  }
0xa7: {  	s25 =	simm.s32 $0x1B8E;
	s24 =	sld [smem:$0x3FFE];
	[sflag:s23] =	ssyncadd.s32 $0xFFFFFFFF  }
0xa8: {  	s26 =	simm.s32 $execute0_lowered;
	[smem:$0x3FD2] =	sst s25  }
0xa9: {  	s8 =	sshll.u32 s26, $0x1;
	_ =	strace $0x80000046;
	[dreg:$0x1] =	wrdreg $0xFFFFFFFF  }
0xaa: {  	s28 =	simm.s32 $_size_execute0_lowered;
	s6 =	sadd.s32 s6, s8;
	[dreg:$0x0] =	wrdreg $0x0  }
0xab: {  	s8 =	sshll.u32 s28, $0x1;
	[dreg:$0x2] =	wrdreg s6  }
0xac: {  	[dreg:$0x3] =	wrdreg s8  }
0xad: {  	[dreg:$0x4] =	wrdreg $0xC0  }
0xae: {  	_ =	task [dreg:s10], $0x5FFFF  }
0xaf: {  	[dreg:$0x1] =	wrdreg $0xFFFFFFFF  }
0xb0: {  	[dreg:$0x0] =	wrdreg $0x60  }
0xb1: {  	[dreg:$0x2] =	wrdreg s18  }
0xb2: {  	[dreg:$0x3] =	wrdreg s2  }
0xb3: {  	[dreg:$0x4] =	wrdreg s4  }
0xb4: {  	[dreg:$0x5] =	wrdreg s5  }
0xb5: {  	[dreg:$0x6] =	wrdreg s24  }
0xb6: {  	[dreg:$0x7] =	wrdreg $0x9  }
0xb7: {  	_ =	task.clear_ibuf [dreg:s10], $0x8FFFF;
	_ =	strace $0x90000046  }
0xb8: {  	s29 =	simm.s32 $0x9;
	_ =	strace $0x80000048  }
0xb9: {  	_ =	swait.ge [sflag:s29], $0x1  }
0xba: {  	[sflag:s29] =	ssyncadd.s32 $0xFFFFFFFF  }
0xbb: {  	_ =	strace $0x90000048  }
0xbc: {  	_ =	sfence  }
0xbd: {  	s30 =	sld [smem:$0x0];
	_ =	sdelay $0x2  }
0xbe: {  	s31 =	sshll.u32 s1, $0xD;
	s1 =	sshrl.u32 s1, $0x2  }
0xbf: {  	s3 =	sand.u32 $0x4000, s31;
	s1 =	sadd.s32 s1, s30  }
0xc0: {  	s0 =	sor.u32 s3, s0;
	s1 =	sshll.u32 s1, $0x11  }
0xc1: {  	s0 =	sor.u32 s1, s0  }
0xc2: {  	s0 =	sadd.s32 $0x8F2B, s0  }
0xc3: {  	[sflag:s0] =	ssyncadd.remote.s32 $0x1  }
0xc4: {  	_ =	sfence.sel $0xFFFF  }
0xc5: {  	[dreg:$0x0] =	wrdreg $0xFFFFFFFF;
	(pc) =	sbr.abs _section_cstart, $3  }
0xc6: {  	[dreg:$0x1] =	wrdreg $0xFFFFFFFF  }
0xc7: {  	_ =	task.clear_ibuf [dreg:s10], $0x2FFFF;
	_ =	strace $0x9FFFFFFF  }
0xc8: {  	(tm) =	ssettm $0x7FFFFFFF  }
0xc9: {  	_ =	shalt  }
tec
execute0_lowered:
.L_overlay_start_1:
0x0: {  	(tag) =	ssettag $0x1  }
0x1: {  	s1 =	rddreg [dreg:$0x0]  }
0x2: {  	s2 =	rddreg [dreg:$0x1]  }
0x3: {  	s5 =	rddreg [dreg:$0x2];
	s3 =	srdreg.scid  }
0x4: {  	s9 =	rddreg [dreg:$0x3];
	s0 =	stileid.u32;
	s10 =	sand.u32 $0x1, s3  }
0x5: {  	s11 =	rddreg [dreg:$0x4];
	s6 =	sshll.u32 s0, $0xA;
	s7 =	sshll.u32 s10, $0x9  }
0x6: {  	s4 =	simm.s32 $0x0;
	s3 =	rddreg [dreg:$0x5];
	s12 =	sor.u32 s7, s6  }
0x7: {  	[smem:$0x7FF] =	sst s4;
	s6 =	sshrl.u32 s12, $0x3  }
0x8: {  	_ =	strace $0x80000047;
	s6 =	sadd.s32 s5, s6;
	s5 =	simm.s32 $0x2  }
0x9: {  	[tilespmem:s4], [sflag:$0x2] =	stream.linear.gather [hbm4b:s6+s4], $0x200, $0x38;
	[tilespmem:$0x10200] =	vst v63  }
0xa: {  	_ =	swait.ge [sflag:s5], $0x200  }
0xb: {  	[sflag:s5] =	ssyncset.done $0x0  }
0xc: {  	s8 =	simm.s32 $0x1;
	s7 =	simm.s32 $0x200;
	[sflag:s5] =	ssyncadd.s32 $0xFFFFFE00  }
0xd: {  	[tilespmem:s7], [sflag:$0x1] =	stream.indirect.gather [hbm4b:s1+s7], $0x80, s4, s7, $0xb8;
	[tilespmem:$0x10200] =	vst v63  }
0xe: {  	_ =	swait.ge [sflag:s8], $0x10000  }
0xf: {  	s12 =	sshll.u32 s12, $0x4;
	[sflag:s8] =	ssyncset.done $0x0  }
0x10: {  	s10 =	ssub.s32 $0x2, s10;
	s9 =	sadd.s32 s9, s12;
	[sflag:s8] =	ssyncadd.s32 $0xFFFF0000  }
0x11: {  	[hbm4b:s9+s4] =	stream.linear.scatter [tilespmem:s7], [sflag:$0x2], $0x10000, $0x38;
	[tilespmem:$0x10200] =	vst v63  }
0x12: {  	s13 =	sshrl.u32 s10, $0x1;
	_ =	swait.ge [sflag:s5], $0x10000  }
0x13: {  	s30 =	ssub.s32 s10, s13;
	[sflag:s5] =	ssyncset.done $0x0  }
0x14: {  	s31 =	smax.u32 s30, $0x1;
	[sflag:s5] =	ssyncadd.s32 $0xFFFF0000  }
0x15: {  	[tilespmem:s7], [sflag:$0x1] =	stream.indirect.gather [hbm4b:s2+s7], $0x80, s4, s7, $0xb8;
	[tilespmem:$0x10200] =	vst v63  }
0x16: {  	p0 =	sne.s32 s31, $0x1;
	_ =	swait.ge [sflag:s8], $0x10000  }
.Ltmp0:
0x17: {  	s11 =	sadd.s32 s12, s11;
	[sflag:s8] =	ssyncset.done $0x0;
	(pc) =	sbr.rel @!p0 .LBB2_2-.Ltmp0, $4  }
0x18: {  	s10 =	sadd.s32 $0x1000, s11;
	[sflag:s8] =	ssyncadd.s32 $0xFFFF0000  }
0x19: {  	[hbm4b:s10+s4] =	stream.linear.scatter [tilespmem:s7], [sflag:$0x2], $0x10000, $0x38;
	[tilespmem:$0x10200] =	vst v63  }
0x1a: {  	_ =	swait.ge [sflag:s5], $0x10000  }
0x1b: {  	s11 =	sadd.s32 $0xFFFFFFFF, s31;
	[sflag:s5] =	ssyncset.done $0x0  }
.LBB2_1:
0x1c: {  	p0 =	sne.s32 s11, $0x1;
	s11 =	sadd.s32 $0xFFFFFFFF, s11;
	[sflag:s5] =	ssyncadd.s32 $0xFFFF0000  }
0x1d: {  	[tilespmem:s4], [sflag:$0x2] =	stream.linear.gather [hbm4b:s6+s4], $0x200, $0x38;
	[tilespmem:$0x10200] =	vst v63  }
0x1e: {  	_ =	swait.ge [sflag:s5], $0x200  }
0x1f: {  	[sflag:s5] =	ssyncset.done $0x0  }
0x20: {  	[sflag:s5] =	ssyncadd.s32 $0xFFFFFE00  }
0x21: {  	[tilespmem:s7], [sflag:$0x1] =	stream.indirect.gather [hbm4b:s1+s7], $0x80, s4, s7, $0xb8;
	[tilespmem:$0x10200] =	vst v63  }
0x22: {  	_ =	swait.ge [sflag:s8], $0x10000  }
0x23: {  	[sflag:s8] =	ssyncset.done $0x0  }
0x24: {  	[sflag:s8] =	ssyncadd.s32 $0xFFFF0000  }
0x25: {  	[hbm4b:s9+s4] =	stream.linear.scatter [tilespmem:s7], [sflag:$0x2], $0x10000, $0x38;
	[tilespmem:$0x10200] =	vst v63  }
0x26: {  	_ =	swait.ge [sflag:s5], $0x10000  }
0x27: {  	[sflag:s5] =	ssyncset.done $0x0  }
0x28: {  	[sflag:s5] =	ssyncadd.s32 $0xFFFF0000  }
0x29: {  	[tilespmem:s7], [sflag:$0x1] =	stream.indirect.gather [hbm4b:s2+s7], $0x80, s4, s7, $0xb8;
	[tilespmem:$0x10200] =	vst v63  }
0x2a: {  	_ =	swait.ge [sflag:s8], $0x10000  }
.Ltmp1:
0x2b: {  	[sflag:s8] =	ssyncset.done $0x0;
	(pc) =	sbr.rel @p0 .LBB2_1-.Ltmp1, $4  }
0x2c: {  	[sflag:s8] =	ssyncadd.s32 $0xFFFF0000  }
0x2d: {  	[hbm4b:s10+s4] =	stream.linear.scatter [tilespmem:s7], [sflag:$0x2], $0x10000, $0x38;
	[tilespmem:$0x10200] =	vst v63  }
0x2e: {  	_ =	swait.ge [sflag:s5], $0x10000  }
0x2f: {  	[sflag:s5] =	ssyncset.done $0x0  }
.LBB2_2:
0x30: {  	[sflag:s5] =	ssyncadd.s32 $0xFFFF0000  }
0x31: {  	_ =	sfence.sel $0x180000  }
0x32: {  	[bflag:$0x0] =	sbarrier.arrive $0xFFFF  }
0x33: {  	p0 =	sne.s32 s0, $0x0;
	_ =	strace $0x90000047  }
0x34: {  	s0 =	sadd.s32 @!p0 $0x100000, s3;
	[bflag:$0x2] =	sbarrier.arrive $0xFFFF  }
0x35: {  	[sflag:s0] =	ssyncadd.tile.s32 @!p0 $0x1;
	_ =	shalt  }
.Lfunc_end2:
_tile_overlayer_lowered:
.L_overlay_start_2:
0x36: {  	(tag) =	ssettag $0x2  }
0x37: {  	s0 =	rddreg [dreg:$0x0];
	s2 =	stileid.u32  }
0x38: {  	s1 =	rddreg [dreg:$0x1];
	p0 =	sne.s32 s2, $0x0  }
0x39: {  	s3 =	rddreg [dreg:$0x2];
	[bflag:$0x3] =	sbarrier.arrive $0xFFFF;
	s2 =	simm.s32 @!p0 $0x1C02  }
0x3a: {  	[timem:s3], [sflag:s2] =	dma.local @!p0 [hbm:s0], s1  }
0x3b: {  	s0 =	simm.s32 @!p0 $0x2  }
0x3c: {  	_ =	swait.ge @!p0 [sflag:s0], s1  }
0x3d: {  	s1 =	ssub.s32 @!p0 $0x0, s1;
	[sflag:s0] =	ssyncset.done @!p0 $0x0  }
0x3e: {  	[sflag:s0] =	ssyncadd.s32 @!p0 s1  }
0x3f: {  	[bflag:$0x3] =	sbarrier.arrive $0xFFFF  }
0x40: {  	_ =	shalt  }

</sc_bundles>
